<compile_context>
chip_gen: v7x
topology: tpu7x:2x2x1
jax: 0.10.2.dev20260603
libtpu: 0.0.44.dev20260713+nightly
codegen_flags: <defaults>
</compile_context>

<pallas_src>
import jax
import jax.numpy as jnp
from jax import lax
from jax.experimental import pallas as pl
from jax.experimental.pallas import tpu as pltpu
from jax.experimental.pallas import tpu_sc as plsc

B, T, D = 4, 4096, 2048
L = 16
Q = D // 4
NSUB = 16
CHUNKS = Q // L

_DNUMS = lax.GatherDimensionNumbers(
    offset_dims=(), collapsed_slice_dims=(0,), start_index_map=(0,))


def _lane_gather(x, idx):
    return lax.gather(x, idx[:, None], _DNUMS, (1,),
                      mode=lax.GatherScatterMode.PROMISE_IN_BOUNDS)


def _sc_body(lat_hbm, len_hbm, mk_hbm, out_hbm, len_v, idx_v,
             rows_v, mk_v, acc_v, shared, sum_v, out_v, sem, sem2):
    sid = lax.axis_index("s")
    q = sid & 3
    mkcp = pltpu.async_copy(mk_hbm.at[pl.ds(q * Q, Q)], mk_v, sem2)

    pltpu.sync_copy(len_hbm, len_v.at[pl.ds(0, B)])
    lane = lax.iota(jnp.int32, L)
    eos = jnp.maximum(len_v[...] - 1, 1)
    rows = jnp.where(lane < B, lane * T + eos, 0)
    half = jnp.right_shift(lane, 3)
    idx_v[pl.ds(0, L)] = _lane_gather(rows, half)
    idx_v[pl.ds(L, L)] = _lane_gather(rows, half + 2)
    b = jnp.right_shift(sid, 2)
    cp = pltpu.async_copy(lat_hbm.at[idx_v.at[pl.ds(b * 8, 1)]], rows_v, sem)
    mkcp.wait()
    cp.wait()

    def _step(c, acc):
        d = rows_v[0, pl.ds(q * Q + c * L, L)] - mk_v[pl.ds(c * L, L)]
        return acc + d * d

    acc = lax.fori_loop(0, CHUNKS, _step, jnp.zeros((L,), jnp.float32))
    for sh in (8, 4, 2, 1):
        acc = acc + _lane_gather(acc, lane ^ sh)
    acc_v[...] = acc
    pltpu.sync_copy(acc_v.at[pl.ds(0, 8)], shared.at[0, pl.ds(sid * 8, 8)])

    plsc.subcore_barrier()

    @pl.when(sid == 0)
    def _():
        pltpu.sync_copy(shared, sum_v)
        tot = jnp.zeros((L,), jnp.float32)
        for k in range(8):
            tot = tot + sum_v[0, pl.ds(k * L, L)]
        tot = tot + _lane_gather(tot, lane ^ 8)
        out_v[...] = tot * (1.0 / float(B * D))
        pltpu.sync_copy(out_v.at[pl.ds(0, 1)], out_hbm)


@jax.jit
def kernel(latents, latent_lengths, marker):
    lat2d = latents.reshape(B * T, D)
    lens = latent_lengths.astype(jnp.int32)

    mesh = plsc.VectorSubcoreMesh(core_axis_name="c", subcore_axis_name="s",
                                  num_cores=1)
    run = pl.kernel(
        _sc_body,
        out_type=jax.ShapeDtypeStruct((1,), jnp.float32),
        mesh=mesh,
        scratch_types=[
            pltpu.VMEM((L,), jnp.int32),
            pltpu.VMEM((B * 8,), jnp.int32),
            pltpu.VMEM((1, D), jnp.float32),
            pltpu.VMEM((Q,), jnp.float32),
            pltpu.VMEM((L,), jnp.float32),
            pltpu.VMEM_SHARED((1, 128), jnp.float32),
            pltpu.VMEM((1, 128), jnp.float32),
            pltpu.VMEM((L,), jnp.float32),
            pltpu.SemaphoreType.DMA,
            pltpu.SemaphoreType.DMA,
        ],
    )
    out = run(lat2d, lens, marker)
    return out.reshape(())

# --- scband reference (transcript-rebuilt; emitter-appended) ---
"""Pipeline reference for scband-latent-eosmarker-loss-15358803051031 (READ-ONLY COPY).

The authoritative reference and input builder live on the scoring server;
editing this copy changes nothing except your own understanding.
"""

import jax, jax.numpy as jnp
import numpy as np

B, T, D = 4, 4096, 2048

def setup_inputs(seed: int = 0) -> dict:
    key = jax.random.key(seed)
    k1, k2, k3 = jax.random.split(key, 3)
    latents = jax.random.normal(k1, (B, T, D), dtype=jnp.float32)
    latent_lengths = jax.random.randint(k2, (B,), 0, T).astype(jnp.int64)
    # learned parameter of the eos_mark module: a single marker vector of feature_size
    marker = jax.random.normal(k3, (D,), dtype=jnp.float32)
    return {"latents": latents, "latent_lengths": latent_lengths, "marker": marker}

def reference(latents, latent_lengths, marker):
    batch_size, max_len, feature_size = latents.shape
    # idx = (lengths - 1).clip(min=1); gather the latent frame at the EOS position per batch element
    idx = jnp.clip(latent_lengths.astype(jnp.int32) - 1, 1, None)
    eos_markers = latents[jnp.arange(batch_size), idx, :]  # [B, D]
    desired_eos_markers = jnp.broadcast_to(marker[None, :], eos_markers.shape)
    # loss_fn = mse_loss with reduction='mean'
    return jnp.mean((eos_markers - desired_eos_markers) ** 2)

if __name__ == "__main__":
    import jax
    _d = setup_inputs()
    print(jax.jit(kernel)(*tuple(_d.values())))

</pallas_src>

<mosaic_0001>
#map = affine_map<(d0, d1) -> (0, 0)>
#map1 = affine_map<(d0, d1) -> (0)>
module attributes {stable_mosaic.version = 14 : i64} {
  func.func @_sc_body(%arg0: i32, %arg1: i32, %arg2: memref<16384x2048xf32, #tpu.memory_space<hbm>>, %arg3: memref<4xi32, #tpu.memory_space<hbm>>, %arg4: memref<2048xf32, #tpu.memory_space<hbm>>, %arg5: memref<1xf32, #tpu.memory_space<hbm>>, %arg6: memref<16xi32, #tpu.memory_space<vmem>>, %arg7: memref<32xi32, #tpu.memory_space<vmem>>, %arg8: memref<1x2048xf32, #tpu.memory_space<vmem>>, %arg9: memref<512xf32, #tpu.memory_space<vmem>>, %arg10: memref<16xf32, #tpu.memory_space<vmem>>, %arg11: memref<1x128xf32, #tpu.memory_space<vmem_shared>>, %arg12: memref<1x128xf32, #tpu.memory_space<vmem>>, %arg13: memref<16xf32, #tpu.memory_space<vmem>>, %arg14: memref<!tpu.dma_semaphore, #tpu.memory_space<semaphore_mem>>, %arg15: memref<!tpu.dma_semaphore, #tpu.memory_space<semaphore_mem>>) attributes {dimension_semantics = [#tpu.dimension_semantics<core_parallel>, #tpu.dimension_semantics<subcore_parallel>], iteration_bounds = array<i64: 1, 16>, scalar_prefetch = 0 : i64, scratch_operands = 10 : i64, tpu.core_type = #tpu.core_type<sc_vector_subcore>, window_params = [{transform_indices = #map}, {transform_indices = #map1}, {transform_indices = #map1}, {transform_indices = #map1}]} {
    %and3A = arith.constant 3 : i32
    %and3A_0 = arith.andi %arg1, %and3A : i32
    %mul3A = arith.constant 512 : i32
    %mul3A_1 = arith.muli %and3A_0, %mul3A : i32
    %dma_start3A = tpu.memref_slice %arg4[%mul3A_1] : memref<2048xf32, #tpu.memory_space<hbm>> -> memref<512xf32, #tpu.memory_space<hbm>>
    %dma_start3A_2 = tpu.memref_slice %arg4[%mul3A_1] : memref<2048xf32, #tpu.memory_space<hbm>> -> memref<512xf32, #tpu.memory_space<hbm>>
    tpu.enqueue_dma source(%dma_start3A_2 : memref<512xf32, #tpu.memory_space<hbm>>) target(%arg9 : memref<512xf32, #tpu.memory_space<vmem>>) target_semaphore(%arg15 : memref<!tpu.dma_semaphore, #tpu.memory_space<semaphore_mem>>)
    "tpu.region"() ({
      %run_scoped3A_86 = tpu.sem_alloc : memref<!tpu.dma_semaphore, #tpu.memory_space<semaphore_mem>>
      %dma_start3A_87 = arith.constant 0 : i32
      %dma_start3A_88 = tpu.memref_slice %arg6[%dma_start3A_87] : memref<16xi32, #tpu.memory_space<vmem>> -> memref<4xi32, #tpu.memory_space<vmem>>
      %dma_start3A_89 = arith.constant 0 : i32
      %dma_start3A_90 = tpu.memref_slice %arg6[%dma_start3A_89] : memref<16xi32, #tpu.memory_space<vmem>> -> memref<4xi32, #tpu.memory_space<vmem>>
      tpu.enqueue_dma source(%arg3 : memref<4xi32, #tpu.memory_space<hbm>>) target(%dma_start3A_90 : memref<4xi32, #tpu.memory_space<vmem>>) target_semaphore(%run_scoped3A_86 : memref<!tpu.dma_semaphore, #tpu.memory_space<semaphore_mem>>)
      %dma_wait3A_91 = arith.constant 0 : i32
      %dma_wait3A_92 = tpu.memref_slice %arg6[%dma_wait3A_91] : memref<16xi32, #tpu.memory_space<vmem>> -> memref<4xi32, #tpu.memory_space<vmem>>
      %dma_wait3A_93 = arith.constant 0 : i32
      %dma_wait3A_94 = tpu.memref_slice %arg6[%dma_wait3A_93] : memref<16xi32, #tpu.memory_space<vmem>> -> memref<4xi32, #tpu.memory_space<vmem>>
      tpu.wait_dma2 semaphore(%run_scoped3A_86 : memref<!tpu.dma_semaphore, #tpu.memory_space<semaphore_mem>>) src(%arg3 : memref<4xi32, #tpu.memory_space<hbm>>) dst(%dma_wait3A_94 : memref<4xi32, #tpu.memory_space<vmem>>)
      tpu.yield
    }) : () -> ()
    %iota3A = tpu.iota {dimensions = array<i32: 0>} : vector<16xi32>
    %get3A = arith.constant 0 : index
    %get3A_3 = tpu.vector_load %arg6[%get3A] {strides = array<i32>} : memref<16xi32, #tpu.memory_space<vmem>>, vector<16xi32>,
    %get3A_4 = vector.shape_cast %get3A_3 : vector<16xi32> to vector<16xi32>
    %sub3A = arith.constant 1 : i32
    %sub3A_5 = vector.broadcast %sub3A : i32 to vector<16xi32>
    %sub3A_6 = arith.subi %get3A_4, %sub3A_5 : vector<16xi32>
    %max3A = arith.constant 1 : i32
    %max3A_7 = vector.broadcast %max3A : i32 to vector<16xi32>
    %max3A_8 = arith.maxsi %sub3A_6, %max3A_7 : vector<16xi32>
    %lt3A = arith.constant 4 : i32
    %lt3A_9 = vector.broadcast %lt3A : i32 to vector<16xi32>
    %lt3A_10 = arith.cmpi slt, %iota3A, %lt3A_9 : vector<16xi32>
    %mul3A_11 = arith.constant 4096 : i32
    %mul3A_12 = vector.broadcast %mul3A_11 : i32 to vector<16xi32>
    %mul3A_13 = arith.muli %iota3A, %mul3A_12 : vector<16xi32>
    %add3A = arith.addi %mul3A_13, %max3A_8 : vector<16xi32>
    %jit3A = arith.constant 0 : i32
    %broadcast_in_dim3A = vector.broadcast %jit3A : i32 to vector<16xi32>
    %select_n3A = arith.select %lt3A_10, %add3A, %broadcast_in_dim3A : vector<16xi1>, vector<16xi32>
    %shift_right_arithmetic3A = arith.constant 3 : i32
    %shift_right_arithmetic3A_14 = vector.broadcast %shift_right_arithmetic3A : i32 to vector<16xi32>
    %shift_right_arithmetic3A_15 = arith.shrsi %iota3A, %shift_right_arithmetic3A_14 : vector<16xi32>
    %broadcast_in_dim3A_16 = vector.shape_cast %shift_right_arithmetic3A_15 : vector<16xi32> to vector<16x1xi32>
    %gather3A = vector.shape_cast %broadcast_in_dim3A_16 : vector<16x1xi32> to vector<16xi32>
    %gather3A_17 = tpu.dynamic_gather %select_n3A[%gather3A] in [0] : vector<16xi32>, vector<16xi32> -> vector<16xi32>
    %swap3A = arith.constant 0 : index
    %swap3A_18 = tpu.vector_load %arg7[%swap3A] {strides = array<i32>} : memref<32xi32, #tpu.memory_space<vmem>>, vector<16xi32>,
    %swap3A_19 = vector.shape_cast %swap3A_18 : vector<16xi32> to vector<16xi32>
    %swap3A_20 = vector.shape_cast %gather3A_17 : vector<16xi32> to vector<16xi32>
    tpu.vector_store %arg7[%swap3A], %swap3A_20 {strides = array<i32>} : memref<32xi32, #tpu.memory_space<vmem>>, vector<16xi32>,
    %add3A_21 = arith.constant 2 : i32
    %add3A_22 = vector.broadcast %add3A_21 : i32 to vector<16xi32>
    %add3A_23 = arith.addi %shift_right_arithmetic3A_15, %add3A_22 : vector<16xi32>
    %broadcast_in_dim3A_24 = vector.shape_cast %add3A_23 : vector<16xi32> to vector<16x1xi32>
    %gather3A_25 = vector.shape_cast %broadcast_in_dim3A_24 : vector<16x1xi32> to vector<16xi32>
    %gather3A_26 = tpu.dynamic_gather %select_n3A[%gather3A_25] in [0] : vector<16xi32>, vector<16xi32> -> vector<16xi32>
    %swap3A_27 = arith.constant 16 : index
    %swap3A_28 = tpu.vector_load %arg7[%swap3A_27] {strides = array<i32>} : memref<32xi32, #tpu.memory_space<vmem>>, vector<16xi32>,
    %swap3A_29 = vector.shape_cast %swap3A_28 : vector<16xi32> to vector<16xi32>
    %swap3A_30 = vector.shape_cast %gather3A_26 : vector<16xi32> to vector<16xi32>
    tpu.vector_store %arg7[%swap3A_27], %swap3A_30 {strides = array<i32>} : memref<32xi32, #tpu.memory_space<vmem>>, vector<16xi32>,
    %shift_right_arithmetic3A_31 = arith.constant 2 : i32
    %shift_right_arithmetic3A_32 = arith.shrsi %arg1, %shift_right_arithmetic3A_31 : i32
    %mul3A_33 = arith.constant 8 : i32
    %mul3A_34 = arith.muli %shift_right_arithmetic3A_32, %mul3A_33 : i32
    %dma_start3A_35 = tpu.memref_slice %arg7[%mul3A_34] : memref<32xi32, #tpu.memory_space<vmem>> -> memref<1xi32, #tpu.memory_space<vmem>>
    %dma_start3A_36 = arith.constant 0 : i32
    %dma_start3A_37 = arith.constant 0 : i32
    %dma_start3A_38 = tpu.memref_slice %arg2[%dma_start3A_36, %dma_start3A_37] : memref<16384x2048xf32, #tpu.memory_space<hbm>> -> memref<16384x2048xf32, #tpu.memory_space<hbm>>
    tpu.enqueue_indirect_dma source(%dma_start3A_38 : memref<16384x2048xf32, #tpu.memory_space<hbm>>) target(%arg8 : memref<1x2048xf32, #tpu.memory_space<vmem>>) offsets(%dma_start3A_35 : memref<1xi32, #tpu.memory_space<vmem>>) semaphore(%arg14 : memref<!tpu.dma_semaphore, #tpu.memory_space<semaphore_mem>>)
    %dma_wait3A = tpu.memref_slice %arg4[%mul3A_1] : memref<2048xf32, #tpu.memory_space<hbm>> -> memref<512xf32, #tpu.memory_space<hbm>>
    %dma_wait3A_39 = tpu.memref_slice %arg4[%mul3A_1] : memref<2048xf32, #tpu.memory_space<hbm>> -> memref<512xf32, #tpu.memory_space<hbm>>
    tpu.wait_dma2 semaphore(%arg15 : memref<!tpu.dma_semaphore, #tpu.memory_space<semaphore_mem>>) src(%dma_wait3A_39 : memref<512xf32, #tpu.memory_space<hbm>>) dst(%arg9 : memref<512xf32, #tpu.memory_space<vmem>>)
    %dma_wait3A_40 = tpu.memref_slice %arg7[%mul3A_34] : memref<32xi32, #tpu.memory_space<vmem>> -> memref<1xi32, #tpu.memory_space<vmem>>
    %dma_wait3A_41 = arith.constant 0 : i32
    %dma_wait3A_42 = arith.constant 0 : i32
    %dma_wait3A_43 = tpu.memref_slice %arg2[%dma_wait3A_41, %dma_wait3A_42] : memref<16384x2048xf32, #tpu.memory_space<hbm>> -> memref<16384x2048xf32, #tpu.memory_space<hbm>>
    tpu.wait_indirect_dma semaphore(%arg14 : memref<!tpu.dma_semaphore, #tpu.memory_space<semaphore_mem>>) src(%dma_wait3A_43 : memref<16384x2048xf32, #tpu.memory_space<hbm>>) dst(%arg8 : memref<1x2048xf32, #tpu.memory_space<vmem>>)
    %broadcast_in_dim3A_44 = arith.constant 0.000000e+00 : f32
    %broadcast_in_dim3A_45 = vector.broadcast %broadcast_in_dim3A_44 : f32 to vector<16xf32>
    %scan3A = arith.constant 0 : i32
    %scan3A_46 = arith.constant 32 : i32
    %scan3A_47 = arith.addi %scan3A, %scan3A_46 : i32
    %scan3A_48 = arith.constant 1 : i32
    %scan3A_49 = scf.for %scan3A_86 = %scan3A to %scan3A_47 step %scan3A_48 iter_args(%scan3A_87 = %broadcast_in_dim3A_45) -> (vector<16xf32>)  : i32 {
      %mul3A_88 = arith.constant 512 : i32
      %mul3A_89 = arith.muli %and3A_0, %mul3A_88 : i32
      %mul3A_90 = arith.constant 16 : i32
      %mul3A_91 = arith.muli %scan3A_86, %mul3A_90 : i32
      %add3A_92 = arith.addi %mul3A_89, %mul3A_91 : i32
      %get3A_93 = arith.constant 0 : i32
      %get3A_94 = arith.index_cast %get3A_93 : i32 to index
      %get3A_95 = arith.index_cast %add3A_92 : i32 to index
      %get3A_96 = tpu.vector_load %arg8[%get3A_94, %get3A_95] {strides = array<i32>} : memref<1x2048xf32, #tpu.memory_space<vmem>>, vector<1x16xf32>,
      %get3A_97 = vector.shape_cast %get3A_96 : vector<1x16xf32> to vector<16xf32>
      %mul3A_98 = arith.constant 16 : i32
      %mul3A_99 = arith.muli %scan3A_86, %mul3A_98 : i32
      %get3A_100 = arith.index_cast %mul3A_99 : i32 to index
      %get3A_101 = tpu.vector_load %arg9[%get3A_100] {strides = array<i32>} : memref<512xf32, #tpu.memory_space<vmem>>, vector<16xf32>,
      %get3A_102 = vector.shape_cast %get3A_101 : vector<16xf32> to vector<16xf32>
      %sub3A_103 = arith.subf %get3A_97, %get3A_102 : vector<16xf32>
      %mul3A_104 = arith.mulf %sub3A_103, %sub3A_103 : vector<16xf32>
      %add3A_105 = arith.addf %scan3A_87, %mul3A_104 : vector<16xf32>
      scf.yield %add3A_105 : vector<16xf32>
    }
    %scan3A_50 = arith.constant 32 : i32
    %xor3A = arith.constant 8 : i32
    %xor3A_51 = vector.broadcast %xor3A : i32 to vector<16xi32>
    %xor3A_52 = arith.xori %iota3A, %xor3A_51 : vector<16xi32>
    %broadcast_in_dim3A_53 = vector.shape_cast %xor3A_52 : vector<16xi32> to vector<16x1xi32>
    %gather3A_54 = vector.shape_cast %broadcast_in_dim3A_53 : vector<16x1xi32> to vector<16xi32>
    %gather3A_55 = tpu.dynamic_gather %scan3A_49[%gather3A_54] in [0] : vector<16xf32>, vector<16xi32> -> vector<16xf32>
    %add3A_56 = arith.addf %scan3A_49, %gather3A_55 : vector<16xf32>
    %xor3A_57 = arith.constant 4 : i32
    %xor3A_58 = vector.broadcast %xor3A_57 : i32 to vector<16xi32>
    %xor3A_59 = arith.xori %iota3A, %xor3A_58 : vector<16xi32>
    %broadcast_in_dim3A_60 = vector.shape_cast %xor3A_59 : vector<16xi32> to vector<16x1xi32>
    %gather3A_61 = vector.shape_cast %broadcast_in_dim3A_60 : vector<16x1xi32> to vector<16xi32>
    %gather3A_62 = tpu.dynamic_gather %add3A_56[%gather3A_61] in [0] : vector<16xf32>, vector<16xi32> -> vector<16xf32>
    %add3A_63 = arith.addf %add3A_56, %gather3A_62 : vector<16xf32>
    %xor3A_64 = arith.constant 2 : i32
    %xor3A_65 = vector.broadcast %xor3A_64 : i32 to vector<16xi32>
    %xor3A_66 = arith.xori %iota3A, %xor3A_65 : vector<16xi32>
    %broadcast_in_dim3A_67 = vector.shape_cast %xor3A_66 : vector<16xi32> to vector<16x1xi32>
    %gather3A_68 = vector.shape_cast %broadcast_in_dim3A_67 : vector<16x1xi32> to vector<16xi32>
    %gather3A_69 = tpu.dynamic_gather %add3A_63[%gather3A_68] in [0] : vector<16xf32>, vector<16xi32> -> vector<16xf32>
    %add3A_70 = arith.addf %add3A_63, %gather3A_69 : vector<16xf32>
    %xor3A_71 = arith.constant 1 : i32
    %xor3A_72 = vector.broadcast %xor3A_71 : i32 to vector<16xi32>
    %xor3A_73 = arith.xori %iota3A, %xor3A_72 : vector<16xi32>
    %broadcast_in_dim3A_74 = vector.shape_cast %xor3A_73 : vector<16xi32> to vector<16x1xi32>
    %gather3A_75 = vector.shape_cast %broadcast_in_dim3A_74 : vector<16x1xi32> to vector<16xi32>
    %gather3A_76 = tpu.dynamic_gather %add3A_70[%gather3A_75] in [0] : vector<16xf32>, vector<16xi32> -> vector<16xf32>
    %add3A_77 = arith.addf %add3A_70, %gather3A_76 : vector<16xf32>
    %swap3A_78 = arith.constant 0 : index
    %swap3A_79 = tpu.vector_load %arg10[%swap3A_78] {strides = array<i32>} : memref<16xf32, #tpu.memory_space<vmem>>, vector<16xf32>,
    %swap3A_80 = vector.shape_cast %swap3A_79 : vector<16xf32> to vector<16xf32>
    %swap3A_81 = vector.shape_cast %add3A_77 : vector<16xf32> to vector<16xf32>
    tpu.vector_store %arg10[%swap3A_78], %swap3A_81 {strides = array<i32>} : memref<16xf32, #tpu.memory_space<vmem>>, vector<16xf32>,
    %mul3A_82 = arith.constant 8 : i32
    %mul3A_83 = arith.muli %arg1, %mul3A_82 : i32
    %run_scoped3A = arith.constant 0 : i32
    "tpu.region"() ({
      %run_scoped3A_86 = tpu.sem_alloc : memref<!tpu.dma_semaphore, #tpu.memory_space<semaphore_mem>>
      %dma_start3A_87 = arith.constant 0 : i32
      %dma_start3A_88 = tpu.memref_slice %arg10[%dma_start3A_87] : memref<16xf32, #tpu.memory_space<vmem>> -> memref<8xf32, #tpu.memory_space<vmem>>
      %dma_start3A_89 = tpu.memref_slice %arg11[%run_scoped3A, %mul3A_83] : memref<1x128xf32, #tpu.memory_space<vmem_shared>> -> memref<1x8xf32, #tpu.memory_space<vmem_shared>>
      %dma_start3A_90 = tpu.memref_squeeze %dma_start3A_89 : memref<1x8xf32, #tpu.memory_space<vmem_shared>> -> memref<8xf32, #tpu.memory_space<vmem_shared>>
      %dma_start3A_91 = tpu.memref_slice %arg11[%run_scoped3A, %mul3A_83] : memref<1x128xf32, #tpu.memory_space<vmem_shared>> -> memref<1x8xf32, #tpu.memory_space<vmem_shared>>
      %dma_start3A_92 = tpu.memref_squeeze %dma_start3A_91 : memref<1x8xf32, #tpu.memory_space<vmem_shared>> -> memref<8xf32, #tpu.memory_space<vmem_shared>>
      %dma_start3A_93 = arith.constant 0 : i32
      %dma_start3A_94 = tpu.memref_slice %arg10[%dma_start3A_93] : memref<16xf32, #tpu.memory_space<vmem>> -> memref<8xf32, #tpu.memory_space<vmem>>
      tpu.enqueue_dma source(%dma_start3A_94 : memref<8xf32, #tpu.memory_space<vmem>>) target(%dma_start3A_92 : memref<8xf32, #tpu.memory_space<vmem_shared>>) target_semaphore(%run_scoped3A_86 : memref<!tpu.dma_semaphore, #tpu.memory_space<semaphore_mem>>)
      %dma_wait3A_95 = arith.constant 0 : i32
      %dma_wait3A_96 = tpu.memref_slice %arg10[%dma_wait3A_95] : memref<16xf32, #tpu.memory_space<vmem>> -> memref<8xf32, #tpu.memory_space<vmem>>
      %dma_wait3A_97 = tpu.memref_slice %arg11[%run_scoped3A, %mul3A_83] : memref<1x128xf32, #tpu.memory_space<vmem_shared>> -> memref<1x8xf32, #tpu.memory_space<vmem_shared>>
      %dma_wait3A_98 = tpu.memref_squeeze %dma_wait3A_97 : memref<1x8xf32, #tpu.memory_space<vmem_shared>> -> memref<8xf32, #tpu.memory_space<vmem_shared>>
      %dma_wait3A_99 = tpu.memref_slice %arg11[%run_scoped3A, %mul3A_83] : memref<1x128xf32, #tpu.memory_space<vmem_shared>> -> memref<1x8xf32, #tpu.memory_space<vmem_shared>>
      %dma_wait3A_100 = tpu.memref_squeeze %dma_wait3A_99 : memref<1x8xf32, #tpu.memory_space<vmem_shared>> -> memref<8xf32, #tpu.memory_space<vmem_shared>>
      %dma_wait3A_101 = arith.constant 0 : i32
      %dma_wait3A_102 = tpu.memref_slice %arg10[%dma_wait3A_101] : memref<16xf32, #tpu.memory_space<vmem>> -> memref<8xf32, #tpu.memory_space<vmem>>
      tpu.wait_dma2 semaphore(%run_scoped3A_86 : memref<!tpu.dma_semaphore, #tpu.memory_space<semaphore_mem>>) src(%dma_wait3A_102 : memref<8xf32, #tpu.memory_space<vmem>>) dst(%dma_wait3A_100 : memref<8xf32, #tpu.memory_space<vmem_shared>>)
      tpu.yield
    }) : () -> ()
    %barrier3A = arith.constant 0 : index
    tpu.barrier barrier_id(%barrier3A)
    %eq3A = arith.constant 0 : i32
    %eq3A_84 = arith.cmpi eq, %arg1, %eq3A : i32
    %convert_element_type3A = arith.extui %eq3A_84 : i1 to i32
    %cond3A = arith.constant 0 : i32
    %cond3A_85 = arith.cmpi ne, %convert_element_type3A, %cond3A : i32
    scf.if %cond3A_85 {
      "tpu.region"() ({
        %run_scoped3A_150 = tpu.sem_alloc : memref<!tpu.dma_semaphore, #tpu.memory_space<semaphore_mem>>
        tpu.enqueue_dma source(%arg11 : memref<1x128xf32, #tpu.memory_space<vmem_shared>>) target(%arg12 : memref<1x128xf32, #tpu.memory_space<vmem>>) target_semaphore(%run_scoped3A_150 : memref<!tpu.dma_semaphore, #tpu.memory_space<semaphore_mem>>)
        tpu.wait_dma2 semaphore(%run_scoped3A_150 : memref<!tpu.dma_semaphore, #tpu.memory_space<semaphore_mem>>) src(%arg11 : memref<1x128xf32, #tpu.memory_space<vmem_shared>>) dst(%arg12 : memref<1x128xf32, #tpu.memory_space<vmem>>)
        tpu.yield
      }) : () -> ()
      %broadcast_in_dim3A_86 = arith.constant 0.000000e+00 : f32
      %broadcast_in_dim3A_87 = vector.broadcast %broadcast_in_dim3A_86 : f32 to vector<16xf32>
      %get3A_88 = arith.constant 0 : i32
      %get3A_89 = arith.index_cast %get3A_88 : i32 to index
      %get3A_90 = arith.constant 0 : index
      %get3A_91 = tpu.vector_load %arg12[%get3A_89, %get3A_90] {strides = array<i32>} : memref<1x128xf32, #tpu.memory_space<vmem>>, vector<1x16xf32>,
      %get3A_92 = vector.shape_cast %get3A_91 : vector<1x16xf32> to vector<16xf32>
      %add3A_93 = arith.addf %broadcast_in_dim3A_87, %get3A_92 : vector<16xf32>
      %get3A_94 = arith.constant 0 : i32
      %get3A_95 = arith.index_cast %get3A_94 : i32 to index
      %get3A_96 = arith.constant 16 : index
      %get3A_97 = tpu.vector_load %arg12[%get3A_95, %get3A_96] {strides = array<i32>} : memref<1x128xf32, #tpu.memory_space<vmem>>, vector<1x16xf32>,
      %get3A_98 = vector.shape_cast %get3A_97 : vector<1x16xf32> to vector<16xf32>
      %add3A_99 = arith.addf %add3A_93, %get3A_98 : vector<16xf32>
      %get3A_100 = arith.constant 0 : i32
      %get3A_101 = arith.index_cast %get3A_100 : i32 to index
      %get3A_102 = arith.constant 32 : index
      %get3A_103 = tpu.vector_load %arg12[%get3A_101, %get3A_102] {strides = array<i32>} : memref<1x128xf32, #tpu.memory_space<vmem>>, vector<1x16xf32>,
      %get3A_104 = vector.shape_cast %get3A_103 : vector<1x16xf32> to vector<16xf32>
      %add3A_105 = arith.addf %add3A_99, %get3A_104 : vector<16xf32>
      %get3A_106 = arith.constant 0 : i32
      %get3A_107 = arith.index_cast %get3A_106 : i32 to index
      %get3A_108 = arith.constant 48 : index
      %get3A_109 = tpu.vector_load %arg12[%get3A_107, %get3A_108] {strides = array<i32>} : memref<1x128xf32, #tpu.memory_space<vmem>>, vector<1x16xf32>,
      %get3A_110 = vector.shape_cast %get3A_109 : vector<1x16xf32> to vector<16xf32>
      %add3A_111 = arith.addf %add3A_105, %get3A_110 : vector<16xf32>
      %get3A_112 = arith.constant 0 : i32
      %get3A_113 = arith.index_cast %get3A_112 : i32 to index
      %get3A_114 = arith.constant 64 : index
      %get3A_115 = tpu.vector_load %arg12[%get3A_113, %get3A_114] {strides = array<i32>} : memref<1x128xf32, #tpu.memory_space<vmem>>, vector<1x16xf32>,
      %get3A_116 = vector.shape_cast %get3A_115 : vector<1x16xf32> to vector<16xf32>
      %add3A_117 = arith.addf %add3A_111, %get3A_116 : vector<16xf32>
      %get3A_118 = arith.constant 0 : i32
      %get3A_119 = arith.index_cast %get3A_118 : i32 to index
      %get3A_120 = arith.constant 80 : index
      %get3A_121 = tpu.vector_load %arg12[%get3A_119, %get3A_120] {strides = array<i32>} : memref<1x128xf32, #tpu.memory_space<vmem>>, vector<1x16xf32>,
      %get3A_122 = vector.shape_cast %get3A_121 : vector<1x16xf32> to vector<16xf32>
      %add3A_123 = arith.addf %add3A_117, %get3A_122 : vector<16xf32>
      %get3A_124 = arith.constant 0 : i32
      %get3A_125 = arith.index_cast %get3A_124 : i32 to index
      %get3A_126 = arith.constant 96 : index
      %get3A_127 = tpu.vector_load %arg12[%get3A_125, %get3A_126] {strides = array<i32>} : memref<1x128xf32, #tpu.memory_space<vmem>>, vector<1x16xf32>,
      %get3A_128 = vector.shape_cast %get3A_127 : vector<1x16xf32> to vector<16xf32>
      %add3A_129 = arith.addf %add3A_123, %get3A_128 : vector<16xf32>
      %get3A_130 = arith.constant 0 : i32
      %get3A_131 = arith.index_cast %get3A_130 : i32 to index
      %get3A_132 = arith.constant 112 : index
      %get3A_133 = tpu.vector_load %arg12[%get3A_131, %get3A_132] {strides = array<i32>} : memref<1x128xf32, #tpu.memory_space<vmem>>, vector<1x16xf32>,
      %get3A_134 = vector.shape_cast %get3A_133 : vector<1x16xf32> to vector<16xf32>
      %add3A_135 = arith.addf %add3A_129, %get3A_134 : vector<16xf32>
      %xor3A_136 = arith.constant 8 : i32
      %xor3A_137 = vector.broadcast %xor3A_136 : i32 to vector<16xi32>
      %xor3A_138 = arith.xori %iota3A, %xor3A_137 : vector<16xi32>
      %broadcast_in_dim3A_139 = vector.shape_cast %xor3A_138 : vector<16xi32> to vector<16x1xi32>
      %gather3A_140 = vector.shape_cast %broadcast_in_dim3A_139 : vector<16x1xi32> to vector<16xi32>
      %gather3A_141 = tpu.dynamic_gather %add3A_135[%gather3A_140] in [0] : vector<16xf32>, vector<16xi32> -> vector<16xf32>
      %add3A_142 = arith.addf %add3A_135, %gather3A_141 : vector<16xf32>
      %mul3A_143 = arith.constant 1.22070313E-4 : f32
      %mul3A_144 = vector.broadcast %mul3A_143 : f32 to vector<16xf32>
      %mul3A_145 = arith.mulf %add3A_142, %mul3A_144 : vector<16xf32>
      %swap3A_146 = arith.constant 0 : index
      %swap3A_147 = tpu.vector_load %arg13[%swap3A_146] {strides = array<i32>} : memref<16xf32, #tpu.memory_space<vmem>>, vector<16xf32>,
      %swap3A_148 = vector.shape_cast %swap3A_147 : vector<16xf32> to vector<16xf32>
      %swap3A_149 = vector.shape_cast %mul3A_145 : vector<16xf32> to vector<16xf32>
      tpu.vector_store %arg13[%swap3A_146], %swap3A_149 {strides = array<i32>} : memref<16xf32, #tpu.memory_space<vmem>>, vector<16xf32>,
      "tpu.region"() ({
        %run_scoped3A_150 = tpu.sem_alloc : memref<!tpu.dma_semaphore, #tpu.memory_space<semaphore_mem>>
        %dma_start3A_151 = arith.constant 0 : i32
        %dma_start3A_152 = tpu.memref_slice %arg13[%dma_start3A_151] : memref<16xf32, #tpu.memory_space<vmem>> -> memref<1xf32, #tpu.memory_space<vmem>>
        %dma_start3A_153 = arith.constant 0 : i32
        %dma_start3A_154 = tpu.memref_slice %arg13[%dma_start3A_153] : memref<16xf32, #tpu.memory_space<vmem>> -> memref<1xf32, #tpu.memory_space<vmem>>
        tpu.enqueue_dma source(%dma_start3A_154 : memref<1xf32, #tpu.memory_space<vmem>>) target(%arg5 : memref<1xf32, #tpu.memory_space<hbm>>) target_semaphore(%run_scoped3A_150 : memref<!tpu.dma_semaphore, #tpu.memory_space<semaphore_mem>>)
        %dma_wait3A_155 = arith.constant 0 : i32
        %dma_wait3A_156 = tpu.memref_slice %arg13[%dma_wait3A_155] : memref<16xf32, #tpu.memory_space<vmem>> -> memref<1xf32, #tpu.memory_space<vmem>>
        %dma_wait3A_157 = arith.constant 0 : i32
        %dma_wait3A_158 = tpu.memref_slice %arg13[%dma_wait3A_157] : memref<16xf32, #tpu.memory_space<vmem>> -> memref<1xf32, #tpu.memory_space<vmem>>
        tpu.wait_dma2 semaphore(%run_scoped3A_150 : memref<!tpu.dma_semaphore, #tpu.memory_space<semaphore_mem>>) src(%dma_wait3A_158 : memref<1xf32, #tpu.memory_space<vmem>>) dst(%arg5 : memref<1xf32, #tpu.memory_space<hbm>>)
        tpu.yield
      }) : () -> ()
    } else {
    }
    return
  }
}

</mosaic_0001>

<sc_bundles>
// kernel: kernel.3.cloned.1.call-start
scs
__scs_entry_jumppad:
0x0: {  	(pc) =	sbr.rel $0x88, $3  }
0x1: {  	(tag) =	ssettag $0x0;
	lr =	simm.s32 $0x1  }
0x2: {  	[smem:$0x3F9E] =	sst lr;
	_ =	strace $0xD0000000  }
0x3: {  	_ = 	snop  }
0x4: {  	_ = 	snop  }
0x5: {  	_ = 	snop  }
0x6: {  	_ = 	snop  }
0x7: {  	_ = 	snop  }
__scs_overlays_trampoline_lowered:
0x8: {  	[smem:$0x3FAD] =	sst s0  }
0x9: {  	[smem:$0x3FAE] =	sst s1  }
0xa: {  	[smem:$0x3FAF] =	sst s2  }
0xb: {  	[smem:$0x3FB0] =	sst s3  }
0xc: {  	[smem:$0x3FB1] =	sst s4  }
0xd: {  	[smem:$0x3FB2] =	sst s5  }
0xe: {  	[smem:$0x3FB3] =	sst s6  }
0xf: {  	[smem:$0x3FB4] =	sst s7  }
0x10: {  	[smem:$0x3FB5] =	sst s8  }
0x11: {  	[smem:$0x3FB6] =	sst s9;
	s0 =	simm.s32 @!p0 $0x0  }
0x12: {  	s1 =	sld [smem:$0x3F9C];
	s0 =	simm.s32 @p0 $0x1  }
0x13: {  	[smem:$0x3FB7] =	sst s0;
	s0 =	simm.s32 @!p1 $0x0  }
0x14: {  	s2 =	sld [smem:$0x3F9B];
	s0 =	simm.s32 @p1 $0x1  }
0x15: {  	[smem:$0x3FB8] =	sst s0;
	s0 =	simm.s32 @!p2 $0x0  }
0x16: {  	s3 =	sld [smem:$0x3FDB];
	s0 =	simm.s32 @p2 $0x1  }
0x17: {  	s4 =	simm.s32 $0x1BF5;
	[smem:$0x3FBA] =	sst s0  }
0x18: {  	s0 =	sld [smem:$0x3F9D];
	_ =	swait.ge [sflag:s4], $0x0  }
0x19: {  	s7 =	sld [smem:$0x3F9E]  }
0x1a: {  	s8 =	sadd.s32 $0xFFFFE003, lr  }
0x1b: {  	s9 =	sadd.s32 $0xFFFFFEF7, lr;
	s5 =	simm.s32 $0xFFFFFFFF;
	p2 =	slt.u32 s8, $0xFFFFF086  }
0x1c: {  	p1 =	slt.u32 s9, $0xF7A;
	s5 =	simm.s32 @!p2 $0x0  }
0x1d: {  	s5 =	simm.s32 @p1 $0x1;
	p0 =	seq.s32 s7, s2  }
0x1e: {  	s7 =	smul.u32 @!p0 $0xF7A, s2;
	p2 =	seq.s32 @!p0 s5, $0x0  }
0x1f: {  	s9 =	smul.u32 $0xF7A, s1;
	s8 =	simm.s32 @!p0 $0x1BF5;
	p2 =	por !p2, p0  }
0x20: {  	[sflag:s8] =	ssyncset.s32 @!p0 $0xFFFFF086;
	s6 =	sadd.s32 @!p0 s3, s7;
	s7 =	simm.s32 @!p0 $0x108  }
0x21: {  	s3 =	sadd.s32 s3, s9;
	s6 =	sadd.s32 @!p0 $0x88, s6;
	s7 =	simm.s32 @p2 $0x1082  }
0x22: {  	[simem:s7], [sflag:s8] =	dma.local @!p0 [hbm:s6], $0xF7A  }
0x23: {  	s9 =	sor.u32 $0xD0000000, s2;
	s6 =	simm.s32 $0x108;
	_ =	swait.ge @!p0 [sflag:s8], $0x0  }
0x24: {  	s3 =	sadd.s32 $0x88, s3;
	s6 =	simm.s32 @!p1 $0x1082;
	[sflag:s4] =	ssyncset.s32 $0xFFFFF086  }
0x25: {  	[simem:s6], [sflag:s4] =	dma.local [hbm:s3], $0xF7A  }
0x26: {  	[smem:$0x3F9E] =	sst s1;
	(tag) =	ssettag s2;
	_ =	strace s9  }
0x27: {  	s1 =	sld [smem:$0x3FAE]  }
0x28: {  	s2 =	sld [smem:$0x3FAF]  }
0x29: {  	s4 =	sld [smem:$0x3FB1]  }
0x2a: {  	p0 =	seq.s32 s5, $0x0;
	s5 =	sld [smem:$0x3FB2]  }
0x2b: {  	s6 =	sld [smem:$0x3FB3]  }
0x2c: {  	s7 =	sld [smem:$0x3FB4]  }
0x2d: {  	s3 =	simm.s32 $0x108;
	s8 =	sld [smem:$0x3FB5]  }
0x2e: {  	s3 =	simm.s32 @!p0 $0x1082;
	s9 =	sld [smem:$0x3FB6]  }
0x2f: {  	lr =	sadd.s32 s0, s3;
	s0 =	sld [smem:$0x3FAD]  }
0x30: {  	s3 =	sld [smem:$0x3FB0]  }
0x31: {  	[smem:$0x3FB9] =	sst s10  }
0x32: {  	s10 =	sld [smem:$0x3FB7];
	_ =	sdelay $0x3  }
0x33: {  	p0 =	seq.s32 s10, $0x1;
	s10 =	sld [smem:$0x3FB9];
	_ =	sdelay $0x3  }
0x34: {  	[smem:$0x3FB9] =	sst s10  }
0x35: {  	s10 =	sld [smem:$0x3FB8];
	_ =	sdelay $0x3  }
0x36: {  	p1 =	seq.s32 s10, $0x1;
	s10 =	sld [smem:$0x3FB9];
	_ =	sdelay $0x3  }
0x37: {  	[smem:$0x3FB9] =	sst s10  }
0x38: {  	s10 =	sld [smem:$0x3FBA]  }
0x39: {  	_ = 	snop;
	(pc) =	sbr.ind lr, $3  }
0x3a: {  	_ = 	snop  }
0x3b: {  	_ = 	snop  }
0x3c: {  	p2 =	seq.s32 s10, $0x1;
	s10 =	sld [smem:$0x3FB9]  }
0x3d: {  	_ =	shalt  }
0x3e: {  	_ =	shalt  }
0x3f: {  	_ =	shalt  }
0x40: {  	_ =	shalt  }
0x41: {  	_ =	shalt  }
0x42: {  	_ =	shalt  }
0x43: {  	_ =	shalt  }
0x44: {  	_ =	shalt  }
0x45: {  	_ =	shalt  }
0x46: {  	_ =	shalt  }
0x47: {  	_ =	shalt  }
0x48: {  	_ =	shalt  }
0x49: {  	_ =	shalt  }
0x4a: {  	_ =	shalt  }
0x4b: {  	_ =	shalt  }
0x4c: {  	_ =	shalt  }
0x4d: {  	_ =	shalt  }
0x4e: {  	_ =	shalt  }
0x4f: {  	_ =	shalt  }
0x50: {  	_ =	shalt  }
0x51: {  	_ =	shalt  }
0x52: {  	_ =	shalt  }
0x53: {  	_ =	shalt  }
0x54: {  	_ =	shalt  }
0x55: {  	_ =	shalt  }
0x56: {  	_ =	shalt  }
0x57: {  	_ =	shalt  }
0x58: {  	_ =	shalt  }
0x59: {  	_ =	shalt  }
0x5a: {  	_ =	shalt  }
0x5b: {  	_ =	shalt  }
0x5c: {  	_ =	shalt  }
0x5d: {  	_ =	shalt  }
0x5e: {  	_ =	shalt  }
0x5f: {  	_ =	shalt  }
0x60: {  	_ =	shalt  }
0x61: {  	_ =	shalt  }
0x62: {  	_ =	shalt  }
0x63: {  	_ =	shalt  }
0x64: {  	_ =	shalt  }
0x65: {  	_ =	shalt  }
0x66: {  	_ =	shalt  }
0x67: {  	_ =	shalt  }
0x68: {  	_ =	shalt  }
0x69: {  	_ =	shalt  }
0x6a: {  	_ =	shalt  }
0x6b: {  	_ =	shalt  }
0x6c: {  	_ =	shalt  }
0x6d: {  	_ =	shalt  }
0x6e: {  	_ =	shalt  }
0x6f: {  	_ =	shalt  }
0x70: {  	_ =	shalt  }
0x71: {  	_ =	shalt  }
0x72: {  	_ =	shalt  }
0x73: {  	_ =	shalt  }
0x74: {  	_ =	shalt  }
0x75: {  	_ =	shalt  }
0x76: {  	_ =	shalt  }
0x77: {  	_ =	shalt  }
0x78: {  	_ =	shalt  }
0x79: {  	_ =	shalt  }
0x7a: {  	_ =	shalt  }
0x7b: {  	_ =	shalt  }
0x7c: {  	_ =	shalt  }
0x7d: {  	_ =	shalt  }
0x7e: {  	_ =	shalt  }
0x7f: {  	_ =	shalt  }
0x80: {  	_ =	shalt  }
0x81: {  	_ =	shalt  }
0x82: {  	_ =	shalt  }
0x83: {  	_ =	shalt  }
0x84: {  	_ =	shalt  }
0x85: {  	_ =	shalt  }
0x86: {  	_ =	shalt  }
0x87: {  	_ =	shalt  }
.Lfunc_end0:
.L_simem_size_0:
called_computation_lowered:
.L_overlay_start_0:
0x88: {  	s0 =	sld [smem:$0x3FD9]  }
0x89: {  	s1 =	sld [smem:$0x3FFE];
	_ =	sdelay $0x3  }
0x8a: {  	s0 =	sadd.s32 s1, s0  }
0x8b: {  	[smem:$0x3FC5] =	sst s0  }
0x8c: {  	_ = 	snop  }
0x8d: {  	s0 =	sld [smem:$0x3FC9]  }
0x8e: {  	s17 =	sld [smem:$0x3FC8]  }
0x8f: {  	s2 =	sld [smem:$0x3FC7]  }
0x90: {  	s3 =	sld [smem:$0x3FD0];
	(tm) =	ssettm $0x1  }
0x91: {  	s4 =	sld [smem:$0x3FFB];
	_ =	sdelay $0x3  }
0x92: {  	_ =	strace s4  }
0x93: {  	s4 =	sld [smem:$0x3FFC];
	_ =	sdelay $0x3  }
0x94: {  	_ =	strace s4  }
0x95: {  	s4 =	sld [smem:$0x3FFD];
	_ =	sdelay $0x3  }
0x96: {  	_ =	strace s4  }
0x97: {  	_ =	strace $0x8FFFFFFF  }
0x98: {  	s18 =	sld [smem:$0x3FDB];
	_ =	sdelay $0x1  }
0x99: {  	s5 =	simm.s32 $_scs_section_size  }
0x9a: {  	s6 =	simm.s32 $_size__tile_overlayer_lowered;
	s7 =	simm.s32 $_tile_overlayer_lowered  }
0x9b: {  	s21 =	simm.s32 $0x1BFF;
	s20 =	sshll.u32 s7, $0x1;
	s4 =	sadd.s32 s5, s18  }
0x9c: {  	s8 =	simm.s32 $0x0;
	s19 =	sshll.u32 s6, $0x1;
	s6 =	sadd.s32 s20, s4  }
0x9d: {  	[timem:s8], [sflag:s21] =	dma.local [hbm:s6], s19  }
0x9e: {  	_ =	swait.ge [sflag:s21], s19  }
0x9f: {  	s5 =	ssub.s32 $0x0, s19;
	[sflag:s21] =	ssyncset.done $0x0  }
0xa0: {  	[sflag:s21] =	ssyncadd.s32 s5;
	_ =	sdelay $0x1  }
0xa1: {  	s22 =	simm.s32 $0x1B8B  }
0xa2: {  	_ =	swait.ge [sflag:s22], $0x1  }
0xa3: {  	[sflag:s22] =	ssyncset.done $0x0  }
0xa4: {  	s23 =	simm.s32 $0x1B8E;
	[sflag:s22] =	ssyncadd.s32 $0xFFFFFFFF  }
0xa5: {  	s24 =	simm.s32 $execute0_lowered;
	[smem:$0x3FD2] =	sst s23  }
0xa6: {  	s5 =	sshll.u32 s24, $0x1;
	_ =	strace $0x80000046;
	[dreg:$0x1] =	wrdreg $0xFFFFFFFF  }
0xa7: {  	s25 =	simm.s32 $_size_execute0_lowered;
	s4 =	sadd.s32 s4, s5;
	[dreg:$0x0] =	wrdreg $0x0  }
0xa8: {  	s5 =	sshll.u32 s25, $0x1;
	[dreg:$0x2] =	wrdreg s4  }
0xa9: {  	[dreg:$0x3] =	wrdreg s5  }
0xaa: {  	[dreg:$0x4] =	wrdreg $0xC0  }
0xab: {  	_ =	task [dreg:s8], $0x5FFFF  }
0xac: {  	[dreg:$0x1] =	wrdreg $0xFFFFFFFF  }
0xad: {  	[dreg:$0x0] =	wrdreg $0x60  }
0xae: {  	[dreg:$0x2] =	wrdreg s0  }
0xaf: {  	[dreg:$0x3] =	wrdreg s17  }
0xb0: {  	[dreg:$0x4] =	wrdreg s2  }
0xb1: {  	[dreg:$0x5] =	wrdreg s3  }
0xb2: {  	[dreg:$0x6] =	wrdreg $0xB800  }
0xb3: {  	[dreg:$0x7] =	wrdreg $0x9  }
0xb4: {  	_ =	task.clear_ibuf [dreg:s8], $0x8FFFF;
	_ =	strace $0x90000046  }
0xb5: {  	s26 =	simm.s32 $0x9;
	_ =	strace $0x80000048  }
0xb6: {  	_ =	swait.ge [sflag:s26], $0x1  }
0xb7: {  	[sflag:s26] =	ssyncadd.s32 $0xFFFFFFFF  }
0xb8: {  	_ =	strace $0x90000048  }
0xb9: {  	_ =	sfence  }
0xba: {  	s28 =	sld [smem:$0x0];
	_ =	sdelay $0x1  }
0xbb: {  	s29 =	srdreg.scid  }
0xbc: {  	s30 =	sshll.u32 s29, $0xD;
	s31 =	sshrl.u32 s29, $0x2  }
0xbd: {  	s1 =	sand.u32 $0x1, s29;
	s2 =	sand.u32 $0x4000, s30;
	s0 =	sadd.s32 s31, s28  }
0xbe: {  	s1 =	sor.u32 s2, s1;
	s0 =	sshll.u32 s0, $0x11  }
0xbf: {  	s0 =	sor.u32 s0, s1  }
0xc0: {  	s0 =	sadd.s32 $0x8F2B, s0  }
0xc1: {  	[sflag:s0] =	ssyncadd.remote.s32 $0x1  }
0xc2: {  	_ =	sfence.sel $0xFFFF  }
0xc3: {  	[dreg:$0x0] =	wrdreg $0xFFFFFFFF;
	(pc) =	sbr.abs _section_cstart, $3  }
0xc4: {  	[dreg:$0x1] =	wrdreg $0xFFFFFFFF  }
0xc5: {  	_ =	task.clear_ibuf [dreg:s8], $0x2FFFF;
	_ =	strace $0x9FFFFFFF  }
0xc6: {  	(tm) =	ssettm $0x7FFFFFFF  }
0xc7: {  	_ =	shalt  }
tec
execute0_lowered:
.L_overlay_start_1:
0x0: {  	(tag) =	ssettag $0x1  }
0x1: {  	s4 =	rddreg [dreg:$0x0]  }
0x2: {  	s5 =	rddreg [dreg:$0x1]  }
0x3: {  	s6 =	rddreg [dreg:$0x2]  }
0x4: {  	s1 =	rddreg [dreg:$0x3]  }
0x5: {  	s2 =	rddreg [dreg:$0x4];
	s3 =	stileid.u32  }
0x6: {  	s0 =	rddreg [dreg:$0x5];
	s7 =	simm.s32 $0x0;
	s8 =	sshll.u32 s3, $0x6  }
0x7: {  	[smem:$0x7FF] =	sst s7;
	s8 =	sand.u32 $0xC0, s8  }
0x8: {  	s19 =	simm.s32 $0x900;
	_ =	strace $0x80000047;
	s6 =	sadd.s32 s6, s8  }
0x9: {  	[tilespmem:s19], [sflag:$0x2] =	stream.linear.gather [hbm4b:s6+s7], $0x200, $0x38;
	[tilespmem:$0xC88] =	vst v63  }
0xa: {  	s20 =	simm.s32 $0x3  }
0xb: {  	[tilespmem:s7], [sflag:$0x3] =	stream.linear.gather [hbm4b:s5+s7], $0x4, $0x38;
	[tilespmem:$0xC88] =	vst v63  }
0xc: {  	_ =	swait.ge [sflag:s20], $0x4  }
0xd: {  	[sflag:s20] =	ssyncset.done $0x0  }
0xe: {  	[sflag:s20] =	ssyncadd.s32 $0xFFFFFFFC  }
0xf: {  	v0 =	vld [tilespmem:$0x0];
	_ =	sdelay $0x4  }
0x10: {  	v1 =	vlaneseq.u32;
	v0 =	vadd.s32 $0xFFFFFFFF, v0  }
0x11: {  	v2 =	vmul.u32 $0x1000, v1;
	vm0 =	vgt.s32 v0, $0x1  }
0x12: {  	v0 =	vnsel vm0, $0x1, v0  }
0x13: {  	vm14 =	vmmov $0xf;
	v0 =	vadd.s32 v2, v0  }
0x14: {  	v2 =	vshrl.u32 v1, $0x3;
	v0 =	vnsel vm14, $0x0, v0  }
0x15: {  	v3 =	vperm.xlane v0, v2;
	v2 =	vor.u32 $0x2, v2  }
0x16: {  	s21 =	sshll.u32 s3, $0x1;
	v0 =	vperm.xlane v0, v2  }
0x17: {  	s5 =	sand.u32 $0x18, s21;
	[tilespmem:$0x80] =	vst v3  }
0x18: {  	s5 =	sor.u32 $0x80, s5;
	[tilespmem:$0x90] =	vst v0  }
0x19: {  	v0 =	vld.msk [tilespmem:s5+$0x0], $0x1;
	_ =	sdelay $0x4  }
0x1a: {  	v2 =	vshll.u32 v0, $0x4  }
0x1b: {  	v0 =	vand.u32 $0x7, v0;
	v2 =	vand.u32 $0xFFFFFF80, v2  }
0x1c: {  	v0 =	vor.u32 v0, v2;
	v2 =	vimm.s32 $0x0  }
0x1d: {  	v1 =	vmul.u32 $0x8, v1;
	v0 =	vperm.xlane v0, v2;
	_ =	sdelay $0x1  }
0x1e: {  	v0 =	vadd.s32 v1, v0;
	_ =	sdelay $0x3  }
0x1f: {  	vm15 =	vmmov $0xffff;
	s22 =	simm.s32 $0x100;
	s23 =	simm.s32 $0x2  }
0x20: {  	[tilespmem:s22], [sflag:$0x1] =	stream.indirect_vreg.gather [hbm4b:s4+s7], $0x80, v0, vm15, $0xb8;
	[tilespmem:$0xC88] =	vst v63  }
0x21: {  	_ =	swait.ge [sflag:s23], $0x200  }
0x22: {  	[sflag:s23] =	ssyncset.done $0x0  }
0x23: {  	s24 =	simm.s32 $0x1;
	[sflag:s23] =	ssyncadd.s32 $0xFFFFFE00  }
0x24: {  	s4 =	sshll.u32 s3, $0x9;
	_ =	swait.ge [sflag:s24], $0x800  }
0x25: {  	s25 =	sadd.s32 $0x0, s4;
	[sflag:s24] =	ssyncset.done $0x0  }
0x26: {  	s28 =	sand.u32 $0x70, s7;
	s26 =	sand.u32 $0x780, s25;
	[sflag:s24] =	ssyncadd.s32 $0xFFFFF800  }
0x27: {  	s5 =	sor.u32 s28, s26;
	v0 =	vld [tilespmem:s19+$0x0]  }
0x28: {  	v1 =	vld [tilespmem:s5+$0x100];
	_ =	sdelay $0x1  }
0x29: {  	s29 =	simm.s32 $0x10;
	s30 =	sadd.s32 $0x10, s4  }
0x2a: {  	s31 =	sand.u32 $0x70, s29;
	s6 =	sand.u32 $0x780, s30  }
0x2b: {  	s7 =	sor.u32 s31, s6  }
0x2c: {  	s5 =	simm.s32 $0x910;
	v2 =	vld [tilespmem:s7+$0x100];
	v3 =	vsub.f32 v1, v0  }
0x2d: {  	v1 =	vld [tilespmem:s5+$0x0]  }
0x2e: {  	s6 =	simm.s32 $0x20;
	v0 =	vimm.f32 $0.0e+00;
	v3 =	vmul.f32 v3, v3  }
.LBB2_1:
0x2f: {  	s7 =	sadd.s32 s6, s4;
	p0 =	sne.s32 s6, $0x1F0  }
.Ltmp0:
0x30: {  	s8 =	smov.u32 s6;
	s6 =	sadd.s32 $0x10, s6;
	v0 =	vadd.f32 v3, v0;
	(pc) =	sbr.rel @p0 .LBB2_1-.Ltmp0, $4  }
0x31: {  	s5 =	sadd.s32 $0x10, s5;
	s7 =	sand.u32 $0x780, s7;
	s8 =	sand.u32 $0x70, s8  }
0x32: {  	s7 =	sor.u32 s8, s7;
	v3 =	vsub.f32 v2, v1;
	v1 =	vld [tilespmem:s5+$0x0]  }
0x33: {  	v2 =	vld [tilespmem:s7+$0x100]  }
0x34: {  	v3 =	vmul.f32 v3, v3  }
0x35: {  	_ = 	snop  }
0x36: {  	v4 =	vimm.s32 $0xFEDCBA98  }
0x37: {  	v53 =	vimm.s32 $0x76543210;
	v4 =	vunpack.c.l.s4.s8 v4  }
0x38: {  	v1 =	vsub.f32 v2, v1;
	v2 =	vunpack.c.l.s4.s8 v53  }
0x39: {  	v54 =	vunpack.c.0.s8.s32 v4  }
0x3a: {  	v0 =	vadd.f32 v3, v0;
	v1 =	vmul.f32 v1, v1;
	v2 =	vunpack.c.0.s8.s32 v2  }
0x3b: {  	v56 =	vimm.s32 $0xBA98FEDC;
	v55 =	vand.u32 $0xF, v54  }
0x3c: {  	v57 =	vimm.s32 $0x32107654;
	v0 =	vadd.f32 v1, v0;
	v1 =	vcombine.low v55, v2  }
0x3d: {  	v3 =	vunpack.c.l.s4.s8 v57;
	v2 =	vunpack.c.l.s4.s8 v56  }
0x3e: {  	v1 =	vperm.xlane v0, v1  }
0x3f: {  	v3 =	vunpack.c.0.s8.s32 v3;
	v2 =	vunpack.c.0.s8.s32 v2  }
0x40: {  	v59 =	vimm.s32 $0xDCFE98BA;
	v60 =	vimm.s32 $0x54761032;
	v0 =	vadd.f32 v1, v0  }
0x41: {  	v58 =	vcombine.low v3, v2;
	v2 =	vunpack.c.l.s4.s8 v59;
	v3 =	vunpack.c.l.s4.s8 v60  }
0x42: {  	v62 =	vimm.s32 $0x67452301  }
0x43: {  	v1 =	vperm.xlane v0, v58;
	v2 =	vunpack.c.0.s8.s32 v2;
	v3 =	vunpack.c.0.s8.s32 v3  }
0x44: {  	v61 =	vimm.s32 $0xEFCDAB89;
	v63 =	vunpack.c.l.s4.s8 v62  }
0x45: {  	v0 =	vadd.f32 v1, v0;
	v2 =	vcombine.low v3, v2;
	v1 =	vunpack.c.l.s4.s8 v61;
	_ =	sdelay $0x1  }
0x46: {  	v3 =	vunpack.c.0.s8.s32 v63;
	v2 =	vperm.xlane v0, v2;
	v1 =	vunpack.c.0.s8.s32 v1;
	_ =	sdelay $0x1  }
0x47: {  	v0 =	vadd.f32 v2, v0;
	v1 =	vcombine.low v3, v1;
	_ =	sdelay $0x1  }
0x48: {  	v1 =	vperm.xlane v0, v1;
	_ =	sdelay $0x1  }
0x49: {  	v0 =	vadd.f32 v1, v0  }
0x4a: {  	s4 =	sshll.u32 s3, $0x3  }
0x4b: {  	s5 =	simm.s32 $0xB00;
	s31 =	simm.s32 $0x3;
	s4 =	sadd.s32 s4, s2;
	[tilespmem:$0xB00] =	vst v0  }
0x4c: {  	[spmem:s4] =	stream.linear.scatter [tilespmem:s5], [sflag:$0x3], $0x8, $0x38;
	[tilespmem:$0xC88] =	vst v63  }
0x4d: {  	_ =	swait.ge [sflag:s31], $0x8  }
0x4e: {  	[sflag:s31] =	ssyncset.done $0x0  }
0x4f: {  	[sflag:s31] =	ssyncadd.s32 $0xFFFFFFF8  }
0x50: {  	p0 =	sne.s32 s3, $0x0;
	[bflag:$0x0] =	sbarrier.arrive $0xFFFF  }
0x51: {  	_ =	sfence.sel @p0 $0x180000  }
0x52: {  	[bflag:$0x0] =	sbarrier.arrive @p0 $0xFFFF  }
0x53: {  	_ =	strace @p0 $0x90000047  }
0x54: {  	s3 =	simm.s32 @!p0 $0xB88;
	[bflag:$0x2] =	sbarrier.arrive @p0 $0xFFFF  }
0x55: {  	[tilespmem:s3], [sflag:$0x3] =	stream.linear.gather @!p0 [spmem:s2], $0x80, $0x38;
	[tilespmem:$0xC88] =	vst v63  }
0x56: {  	s2 =	simm.s32 @!p0 $0x3  }
0x57: {  	_ =	swait.ge @!p0 [sflag:s2], $0x80  }
0x58: {  	[sflag:s2] =	ssyncset.done @!p0 $0x0  }
0x59: {  	[sflag:s2] =	ssyncadd.s32 @!p0 $0xFFFFFF80  }
0x5a: {  	v0 =	vld @!p0 [tilespmem:$0xB88];
	_ =	sdelay $0x1  }
0x5b: {  	v1 =	vld @!p0 [tilespmem:$0xB98];
	_ =	sdelay $0x1  }
0x5c: {  	v2 =	vld @!p0 [tilespmem:$0xBA8]  }
0x5d: {  	v0 =	vadd.f32 @!p0 $0.0e+00, v0  }
0x5e: {  	v3 =	vld @!p0 [tilespmem:$0xBB8]  }
0x5f: {  	v0 =	vadd.f32 @!p0 v1, v0  }
0x60: {  	v1 =	vld @!p0 [tilespmem:$0xBC8]  }
0x61: {  	v0 =	vadd.f32 @!p0 v2, v0  }
0x62: {  	v2 =	vld @!p0 [tilespmem:$0xBD8]  }
0x63: {  	v0 =	vadd.f32 @!p0 v3, v0  }
0x64: {  	v3 =	vld @!p0 [tilespmem:$0xBE8]  }
0x65: {  	v0 =	vadd.f32 @!p0 v1, v0;
	v1 =	vimm.s32 @!p0 $0xFEDCBA98  }
0x66: {  	v5 =	vimm.s32 @!p0 $0x76543210;
	v4 =	vld @!p0 [tilespmem:$0xBF8];
	v1 =	vunpack.c.l.s4.s8 @!p0 v1  }
0x67: {  	v0 =	vadd.f32 @!p0 v2, v0;
	v2 =	vunpack.c.l.s4.s8 @!p0 v5  }
0x68: {  	v1 =	vunpack.c.0.s8.s32 @!p0 v1  }
0x69: {  	v0 =	vadd.f32 @!p0 v3, v0;
	v2 =	vunpack.c.0.s8.s32 @!p0 v2  }
0x6a: {  	v1 =	vand.u32 @!p0 $0xF, v1  }
0x6b: {  	v0 =	vadd.f32 @!p0 v4, v0;
	v1 =	vcombine.low @!p0 v1, v2;
	_ =	sdelay $0x1  }
0x6c: {  	v1 =	vperm.xlane @!p0 v0, v1;
	_ =	sdelay $0x1  }
0x6d: {  	v0 =	vadd.f32 @!p0 v1, v0;
	_ =	sdelay $0x1  }
0x6e: {  	v0 =	vmul.f32 @!p0 $1.220703130e-04, v0;
	_ =	sdelay $0x1  }
0x6f: {  	s4 =	simm.s32 @!p0 $0xC08;
	s3 =	simm.s32 @!p0 $0x0;
	[tilespmem:$0xC08] =	vst @!p0 v0  }
0x70: {  	[hbm4b:s1+s3] =	stream.linear.scatter @!p0 [tilespmem:s4], [sflag:$0x3], $0x1, $0x38;
	[tilespmem:$0xC88] =	vst v63  }
0x71: {  	_ =	swait.ge @!p0 [sflag:s2], $0x1  }
0x72: {  	[sflag:s2] =	ssyncset.done @!p0 $0x0  }
0x73: {  	[sflag:s2] =	ssyncadd.s32 @!p0 $0xFFFFFFFF  }
0x74: {  	_ =	sfence.sel @!p0 $0x180000  }
0x75: {  	[bflag:$0x0] =	sbarrier.arrive @!p0 $0xFFFF  }
0x76: {  	_ =	strace @!p0 $0x90000047  }
0x77: {  	s0 =	sadd.s32 @!p0 $0x100000, s0;
	[bflag:$0x2] =	sbarrier.arrive @!p0 $0xFFFF  }
0x78: {  	[sflag:s0] =	ssyncadd.tile.s32 @!p0 $0x1;
	_ =	shalt  }
.Lfunc_end2:
_tile_overlayer_lowered:
.L_overlay_start_2:
0x79: {  	(tag) =	ssettag $0x2  }
0x7a: {  	s0 =	rddreg [dreg:$0x0];
	s2 =	stileid.u32  }
0x7b: {  	s1 =	rddreg [dreg:$0x1];
	p0 =	sne.s32 s2, $0x0  }
0x7c: {  	s3 =	rddreg [dreg:$0x2];
	[bflag:$0x3] =	sbarrier.arrive $0xFFFF;
	s2 =	simm.s32 @!p0 $0x1C03  }
0x7d: {  	[timem:s3], [sflag:s2] =	dma.local @!p0 [hbm:s0], s1  }
0x7e: {  	s0 =	simm.s32 @!p0 $0x3  }
0x7f: {  	_ =	swait.ge @!p0 [sflag:s0], s1  }
0x80: {  	s1 =	ssub.s32 @!p0 $0x0, s1;
	[sflag:s0] =	ssyncset.done @!p0 $0x0  }
0x81: {  	[sflag:s0] =	ssyncadd.s32 @!p0 s1  }
0x82: {  	[bflag:$0x3] =	sbarrier.arrive $0xFFFF  }
0x83: {  	_ =	shalt  }

</sc_bundles>
